<compile_context>
chip_gen: v7x
topology: tpu7x:2x2x1
jax: 0.10.2.dev20260603
libtpu: 0.0.44.dev20260713+nightly
codegen_flags: <defaults>
</compile_context>

<pallas_src>
import jax
import jax.numpy as jnp
from jax import lax
from jax.experimental import pallas as pl
from jax.experimental.pallas import tpu as pltpu
from jax.experimental.pallas import tpu_sc as plsc

_N = 16384
_D = 3
_NS = 16
_L = 16
_NW = _NS
_PER = _N // _NW
_STEPS = _PER // _L


def _router_body(labels_hbm, tab_t_hbm, out_t_hbm, lab_v, tab_v, out_v,
                 sem_l, sem_t):
    wid = lax.axis_index("s")
    base = wid * _PER
    cp_l = pltpu.async_copy(labels_hbm.at[pl.ds(base, _PER)], lab_v, sem_l)
    cp_t = pltpu.async_copy(tab_t_hbm, tab_v, sem_t)
    cp_l.wait()
    cp_t.wait()

    @plsc.parallel_loop(0, _STEPS, unroll=4)
    def step(i):
        lab = lab_v[pl.ds(i * _L, _L)]
        for j in range(_D):
            vals = plsc.load_gather(tab_v.at[j], [lab])
            out_v[j, pl.ds(i * _L, _L)] = vals

    pltpu.sync_copy(out_v, out_t_hbm.at[:, pl.ds(base, _PER)])


def kernel(x, comb_attr_labels, mask_arr):
    labels = comb_attr_labels.astype(jnp.int32)
    run = pl.kernel(
        _router_body,
        mesh=plsc.VectorSubcoreMesh(core_axis_name="c", subcore_axis_name="s",
                                    num_cores=1),
        compiler_params=pltpu.CompilerParams(needs_layout_passes=False),
        out_type=jax.ShapeDtypeStruct((_D, _N), jnp.float32),
        scratch_types=[
            pltpu.VMEM((_PER,), jnp.int32),
            pltpu.VMEM((_D, 8), jnp.float32),
            pltpu.VMEM((_D, _PER), jnp.float32),
            pltpu.SemaphoreType.DMA,
            pltpu.SemaphoreType.DMA,
        ],
    )
    out_t = run(labels, mask_arr.T)
    return out_t.T

# --- scband reference (transcript-rebuilt; emitter-appended) ---
"""Pipeline reference for scband-celeb-aoracle-router-26525718020582 (READ-ONLY COPY).

The authoritative reference and input builder live on the scoring server;
editing this copy changes nothing except your own understanding.
"""

import jax, jax.numpy as jnp
import numpy as np


def setup_inputs(seed: int = 0) -> dict:
    key = jax.random.key(seed)
    k1, k2 = jax.random.split(key)
    x = jax.random.normal(k1, (16384, 128), dtype=jnp.float32)
    comb_attr_labels = jax.random.randint(k2, (16384,), 0, 8, dtype=jnp.int64 if jax.config.jax_enable_x64 else jnp.int32)
    mask_arr = jnp.array([[0, 0, 0], [0, 0, 1], [0, 1, 0], [0, 1, 1],
                          [1, 0, 0], [1, 0, 1], [1, 1, 0], [1, 1, 1]], dtype=jnp.float32)
    return {"x": x, "comb_attr_labels": comb_attr_labels, "mask_arr": mask_arr}


def reference(x, comb_attr_labels, mask_arr):
    # CelebAOracleRouter.get_path: gather rows of the registered mask buffer
    # by the combined attribute labels. x is accepted but unused, matching
    # the original module's signature.
    path_mask = jnp.take(mask_arr, comb_attr_labels, axis=0)
    return path_mask

if __name__ == "__main__":
    import jax
    _d = setup_inputs()
    print(jax.jit(kernel)(*tuple(_d.values())))

</pallas_src>

<mosaic_0001>
#map = affine_map<(d0, d1) -> (0)>
#map1 = affine_map<(d0, d1) -> (0, 0)>
module attributes {stable_mosaic.version = 14 : i64} {
  func.func @_router_body(%arg0: i32, %arg1: i32, %arg2: memref<16384xi32, #tpu.memory_space<hbm>>, %arg3: memref<3x8xf32, #tpu.memory_space<hbm>>, %arg4: memref<3x16384xf32, #tpu.memory_space<hbm>>, %arg5: memref<1024xi32, #tpu.memory_space<vmem>>, %arg6: memref<3x8xf32, #tpu.memory_space<vmem>>, %arg7: memref<3x1024xf32, #tpu.memory_space<vmem>>, %arg8: memref<!tpu.dma_semaphore, #tpu.memory_space<semaphore_mem>>, %arg9: memref<!tpu.dma_semaphore, #tpu.memory_space<semaphore_mem>>) attributes {dimension_semantics = [#tpu.dimension_semantics<core_parallel>, #tpu.dimension_semantics<subcore_parallel>], iteration_bounds = array<i64: 1, 16>, scalar_prefetch = 0 : i64, scratch_operands = 5 : i64, tpu.core_type = #tpu.core_type<sc_vector_subcore>, window_params = [{transform_indices = #map}, {transform_indices = #map1}, {transform_indices = #map1}]} {
    %mul3A = arith.constant 1024 : i32
    %mul3A_0 = arith.muli %arg1, %mul3A : i32
    %dma_start3A = tpu.memref_slice %arg2[%mul3A_0] : memref<16384xi32, #tpu.memory_space<hbm>> -> memref<1024xi32, #tpu.memory_space<hbm>>
    %dma_start3A_1 = tpu.memref_slice %arg2[%mul3A_0] : memref<16384xi32, #tpu.memory_space<hbm>> -> memref<1024xi32, #tpu.memory_space<hbm>>
    tpu.enqueue_dma source(%dma_start3A_1 : memref<1024xi32, #tpu.memory_space<hbm>>) target(%arg5 : memref<1024xi32, #tpu.memory_space<vmem>>) target_semaphore(%arg8 : memref<!tpu.dma_semaphore, #tpu.memory_space<semaphore_mem>>)
    tpu.enqueue_dma source(%arg3 : memref<3x8xf32, #tpu.memory_space<hbm>>) target(%arg6 : memref<3x8xf32, #tpu.memory_space<vmem>>) target_semaphore(%arg9 : memref<!tpu.dma_semaphore, #tpu.memory_space<semaphore_mem>>)
    %dma_wait3A = tpu.memref_slice %arg2[%mul3A_0] : memref<16384xi32, #tpu.memory_space<hbm>> -> memref<1024xi32, #tpu.memory_space<hbm>>
    %dma_wait3A_2 = tpu.memref_slice %arg2[%mul3A_0] : memref<16384xi32, #tpu.memory_space<hbm>> -> memref<1024xi32, #tpu.memory_space<hbm>>
    tpu.wait_dma2 semaphore(%arg8 : memref<!tpu.dma_semaphore, #tpu.memory_space<semaphore_mem>>) src(%dma_wait3A_2 : memref<1024xi32, #tpu.memory_space<hbm>>) dst(%arg5 : memref<1024xi32, #tpu.memory_space<vmem>>)
    tpu.wait_dma2 semaphore(%arg9 : memref<!tpu.dma_semaphore, #tpu.memory_space<semaphore_mem>>) src(%arg3 : memref<3x8xf32, #tpu.memory_space<hbm>>) dst(%arg6 : memref<3x8xf32, #tpu.memory_space<vmem>>)
    %parallel_loop3A = arith.constant 0 : i32
    %parallel_loop3A_3 = arith.constant 64 : i32
    %parallel_loop3A_4 = arith.constant 1 : i32
    scf.for %parallel_loop3A_5 = %parallel_loop3A to %parallel_loop3A_3 step %parallel_loop3A_4  : i32 {
      %parallel_loop3A_6 = arith.constant 16 : i32
      %parallel_loop3A_7 = arith.muli %parallel_loop3A_5, %parallel_loop3A_6 : i32
      %parallel_loop3A_8 = arith.index_cast %parallel_loop3A_7 : i32 to index
      %parallel_loop3A_9 = tpu.vector_load %arg5[%parallel_loop3A_8] {strides = array<i32>} : memref<1024xi32, #tpu.memory_space<vmem>>, vector<16xi32>,
      %parallel_loop3A_10 = arith.constant 0 : i32
      %parallel_loop3A_11 = arith.constant 0 : i32
      %parallel_loop3A_12 = tpu.memref_slice %arg6[%parallel_loop3A_10, %parallel_loop3A_11] : memref<3x8xf32, #tpu.memory_space<vmem>> -> memref<1x8xf32, #tpu.memory_space<vmem>>
      %parallel_loop3A_13 = tpu.memref_squeeze %parallel_loop3A_12 : memref<1x8xf32, #tpu.memory_space<vmem>> -> memref<8xf32, #tpu.memory_space<vmem>>
      %parallel_loop3A_14 = tpu.vector_load_idx %parallel_loop3A_13[%parallel_loop3A_9] : memref<8xf32, #tpu.memory_space<vmem>>[vector<16xi32>], vector<16xf32>,
      %parallel_loop3A_15 = arith.constant 16 : i32
      %parallel_loop3A_16 = arith.muli %parallel_loop3A_5, %parallel_loop3A_15 : i32
      %parallel_loop3A_17 = arith.constant 0 : i32
      %parallel_loop3A_18 = arith.index_cast %parallel_loop3A_17 : i32 to index
      %parallel_loop3A_19 = arith.index_cast %parallel_loop3A_16 : i32 to index
      %parallel_loop3A_20 = tpu.vector_load %arg7[%parallel_loop3A_18, %parallel_loop3A_19] {strides = array<i32>} : memref<3x1024xf32, #tpu.memory_space<vmem>>, vector<16xf32>,
      tpu.vector_store %arg7[%parallel_loop3A_18, %parallel_loop3A_19], %parallel_loop3A_14 {strides = array<i32>} : memref<3x1024xf32, #tpu.memory_space<vmem>>, vector<16xf32>,
      %parallel_loop3A_21 = arith.constant 1 : i32
      %parallel_loop3A_22 = arith.constant 0 : i32
      %parallel_loop3A_23 = tpu.memref_slice %arg6[%parallel_loop3A_21, %parallel_loop3A_22] : memref<3x8xf32, #tpu.memory_space<vmem>> -> memref<1x8xf32, #tpu.memory_space<vmem>>
      %parallel_loop3A_24 = tpu.memref_squeeze %parallel_loop3A_23 : memref<1x8xf32, #tpu.memory_space<vmem>> -> memref<8xf32, #tpu.memory_space<vmem>>
      %parallel_loop3A_25 = tpu.vector_load_idx %parallel_loop3A_24[%parallel_loop3A_9] : memref<8xf32, #tpu.memory_space<vmem>>[vector<16xi32>], vector<16xf32>,
      %parallel_loop3A_26 = arith.constant 16 : i32
      %parallel_loop3A_27 = arith.muli %parallel_loop3A_5, %parallel_loop3A_26 : i32
      %parallel_loop3A_28 = arith.constant 1 : i32
      %parallel_loop3A_29 = arith.index_cast %parallel_loop3A_28 : i32 to index
      %parallel_loop3A_30 = arith.index_cast %parallel_loop3A_27 : i32 to index
      %parallel_loop3A_31 = tpu.vector_load %arg7[%parallel_loop3A_29, %parallel_loop3A_30] {strides = array<i32>} : memref<3x1024xf32, #tpu.memory_space<vmem>>, vector<16xf32>,
      tpu.vector_store %arg7[%parallel_loop3A_29, %parallel_loop3A_30], %parallel_loop3A_25 {strides = array<i32>} : memref<3x1024xf32, #tpu.memory_space<vmem>>, vector<16xf32>,
      %parallel_loop3A_32 = arith.constant 2 : i32
      %parallel_loop3A_33 = arith.constant 0 : i32
      %parallel_loop3A_34 = tpu.memref_slice %arg6[%parallel_loop3A_32, %parallel_loop3A_33] : memref<3x8xf32, #tpu.memory_space<vmem>> -> memref<1x8xf32, #tpu.memory_space<vmem>>
      %parallel_loop3A_35 = tpu.memref_squeeze %parallel_loop3A_34 : memref<1x8xf32, #tpu.memory_space<vmem>> -> memref<8xf32, #tpu.memory_space<vmem>>
      %parallel_loop3A_36 = tpu.vector_load_idx %parallel_loop3A_35[%parallel_loop3A_9] : memref<8xf32, #tpu.memory_space<vmem>>[vector<16xi32>], vector<16xf32>,
      %parallel_loop3A_37 = arith.constant 16 : i32
      %parallel_loop3A_38 = arith.muli %parallel_loop3A_5, %parallel_loop3A_37 : i32
      %parallel_loop3A_39 = arith.constant 2 : i32
      %parallel_loop3A_40 = arith.index_cast %parallel_loop3A_39 : i32 to index
      %parallel_loop3A_41 = arith.index_cast %parallel_loop3A_38 : i32 to index
      %parallel_loop3A_42 = tpu.vector_load %arg7[%parallel_loop3A_40, %parallel_loop3A_41] {strides = array<i32>} : memref<3x1024xf32, #tpu.memory_space<vmem>>, vector<16xf32>,
      tpu.vector_store %arg7[%parallel_loop3A_40, %parallel_loop3A_41], %parallel_loop3A_36 {strides = array<i32>} : memref<3x1024xf32, #tpu.memory_space<vmem>>, vector<16xf32>,
    } {sc.loop_unroll_factor = 4 : i64, sc.parallel_access}
    "tpu.region"() ({
      %run_scoped3A = tpu.sem_alloc : memref<!tpu.dma_semaphore, #tpu.memory_space<semaphore_mem>>
      %dma_start3A_5 = arith.constant 0 : i32
      %dma_start3A_6 = tpu.memref_slice %arg4[%dma_start3A_5, %mul3A_0] : memref<3x16384xf32, #tpu.memory_space<hbm>> -> memref<3x1024xf32, #tpu.memory_space<hbm>>
      %dma_start3A_7 = arith.constant 0 : i32
      %dma_start3A_8 = tpu.memref_slice %arg4[%dma_start3A_7, %mul3A_0] : memref<3x16384xf32, #tpu.memory_space<hbm>> -> memref<3x1024xf32, #tpu.memory_space<hbm>>
      tpu.enqueue_dma source(%arg7 : memref<3x1024xf32, #tpu.memory_space<vmem>>) target(%dma_start3A_8 : memref<3x1024xf32, #tpu.memory_space<hbm>>) target_semaphore(%run_scoped3A : memref<!tpu.dma_semaphore, #tpu.memory_space<semaphore_mem>>)
      %dma_wait3A_9 = arith.constant 0 : i32
      %dma_wait3A_10 = tpu.memref_slice %arg4[%dma_wait3A_9, %mul3A_0] : memref<3x16384xf32, #tpu.memory_space<hbm>> -> memref<3x1024xf32, #tpu.memory_space<hbm>>
      %dma_wait3A_11 = arith.constant 0 : i32
      %dma_wait3A_12 = tpu.memref_slice %arg4[%dma_wait3A_11, %mul3A_0] : memref<3x16384xf32, #tpu.memory_space<hbm>> -> memref<3x1024xf32, #tpu.memory_space<hbm>>
      tpu.wait_dma2 semaphore(%run_scoped3A : memref<!tpu.dma_semaphore, #tpu.memory_space<semaphore_mem>>) src(%arg7 : memref<3x1024xf32, #tpu.memory_space<vmem>>) dst(%dma_wait3A_12 : memref<3x1024xf32, #tpu.memory_space<hbm>>)
      tpu.yield
    }) : () -> ()
    return
  }
}

</mosaic_0001>

<sc_bundles>
// kernel: kernel.3.cloned.1.call-start
scs
__scs_entry_jumppad:
0x0: {  	(pc) =	sbr.rel $0x88, $3  }
0x1: {  	(tag) =	ssettag $0x0;
	lr =	simm.s32 $0x1  }
0x2: {  	[smem:$0x3F9F] =	sst lr;
	_ =	strace $0xD0000000  }
0x3: {  	_ = 	snop  }
0x4: {  	_ = 	snop  }
0x5: {  	_ = 	snop  }
0x6: {  	_ = 	snop  }
0x7: {  	_ = 	snop  }
__scs_overlays_trampoline_lowered:
0x8: {  	[smem:$0x3FAE] =	sst s0  }
0x9: {  	[smem:$0x3FAF] =	sst s1  }
0xa: {  	[smem:$0x3FB0] =	sst s2  }
0xb: {  	[smem:$0x3FB1] =	sst s3  }
0xc: {  	[smem:$0x3FB2] =	sst s4  }
0xd: {  	[smem:$0x3FB3] =	sst s5  }
0xe: {  	[smem:$0x3FB4] =	sst s6  }
0xf: {  	[smem:$0x3FB5] =	sst s7  }
0x10: {  	[smem:$0x3FB6] =	sst s8  }
0x11: {  	[smem:$0x3FB7] =	sst s9;
	s0 =	simm.s32 @!p0 $0x0  }
0x12: {  	s1 =	sld [smem:$0x3F9D];
	s0 =	simm.s32 @p0 $0x1  }
0x13: {  	[smem:$0x3FB8] =	sst s0;
	s0 =	simm.s32 @!p1 $0x0  }
0x14: {  	s2 =	sld [smem:$0x3F9C];
	s0 =	simm.s32 @p1 $0x1  }
0x15: {  	[smem:$0x3FB9] =	sst s0;
	s0 =	simm.s32 @!p2 $0x0  }
0x16: {  	s3 =	sld [smem:$0x3FDB];
	s0 =	simm.s32 @p2 $0x1  }
0x17: {  	s4 =	simm.s32 $0x1BF5;
	[smem:$0x3FBB] =	sst s0  }
0x18: {  	s0 =	sld [smem:$0x3F9E];
	_ =	swait.ge [sflag:s4], $0x0  }
0x19: {  	s7 =	sld [smem:$0x3F9F]  }
0x1a: {  	s8 =	sadd.s32 $0xFFFFE003, lr  }
0x1b: {  	s9 =	sadd.s32 $0xFFFFFEF7, lr;
	s5 =	simm.s32 $0xFFFFFFFF;
	p2 =	slt.u32 s8, $0xFFFFF086  }
0x1c: {  	p1 =	slt.u32 s9, $0xF7A;
	s5 =	simm.s32 @!p2 $0x0  }
0x1d: {  	s5 =	simm.s32 @p1 $0x1;
	p0 =	seq.s32 s7, s2  }
0x1e: {  	s7 =	smul.u32 @!p0 $0xF7A, s2;
	p2 =	seq.s32 @!p0 s5, $0x0  }
0x1f: {  	s9 =	smul.u32 $0xF7A, s1;
	s8 =	simm.s32 @!p0 $0x1BF5;
	p2 =	por !p2, p0  }
0x20: {  	[sflag:s8] =	ssyncset.s32 @!p0 $0xFFFFF086;
	s6 =	sadd.s32 @!p0 s3, s7;
	s7 =	simm.s32 @!p0 $0x108  }
0x21: {  	s3 =	sadd.s32 s3, s9;
	s6 =	sadd.s32 @!p0 $0x88, s6;
	s7 =	simm.s32 @p2 $0x1082  }
0x22: {  	[simem:s7], [sflag:s8] =	dma.local @!p0 [hbm:s6], $0xF7A  }
0x23: {  	s9 =	sor.u32 $0xD0000000, s2;
	s6 =	simm.s32 $0x108;
	_ =	swait.ge @!p0 [sflag:s8], $0x0  }
0x24: {  	s3 =	sadd.s32 $0x88, s3;
	s6 =	simm.s32 @!p1 $0x1082;
	[sflag:s4] =	ssyncset.s32 $0xFFFFF086  }
0x25: {  	[simem:s6], [sflag:s4] =	dma.local [hbm:s3], $0xF7A  }
0x26: {  	[smem:$0x3F9F] =	sst s1;
	(tag) =	ssettag s2;
	_ =	strace s9  }
0x27: {  	s1 =	sld [smem:$0x3FAF]  }
0x28: {  	s2 =	sld [smem:$0x3FB0]  }
0x29: {  	s4 =	sld [smem:$0x3FB2]  }
0x2a: {  	p0 =	seq.s32 s5, $0x0;
	s5 =	sld [smem:$0x3FB3]  }
0x2b: {  	s6 =	sld [smem:$0x3FB4]  }
0x2c: {  	s7 =	sld [smem:$0x3FB5]  }
0x2d: {  	s3 =	simm.s32 $0x108;
	s8 =	sld [smem:$0x3FB6]  }
0x2e: {  	s3 =	simm.s32 @!p0 $0x1082;
	s9 =	sld [smem:$0x3FB7]  }
0x2f: {  	lr =	sadd.s32 s0, s3;
	s0 =	sld [smem:$0x3FAE]  }
0x30: {  	s3 =	sld [smem:$0x3FB1]  }
0x31: {  	[smem:$0x3FBA] =	sst s10  }
0x32: {  	s10 =	sld [smem:$0x3FB8];
	_ =	sdelay $0x3  }
0x33: {  	p0 =	seq.s32 s10, $0x1;
	s10 =	sld [smem:$0x3FBA];
	_ =	sdelay $0x3  }
0x34: {  	[smem:$0x3FBA] =	sst s10  }
0x35: {  	s10 =	sld [smem:$0x3FB9];
	_ =	sdelay $0x3  }
0x36: {  	p1 =	seq.s32 s10, $0x1;
	s10 =	sld [smem:$0x3FBA];
	_ =	sdelay $0x3  }
0x37: {  	[smem:$0x3FBA] =	sst s10  }
0x38: {  	s10 =	sld [smem:$0x3FBB]  }
0x39: {  	_ = 	snop;
	(pc) =	sbr.ind lr, $3  }
0x3a: {  	_ = 	snop  }
0x3b: {  	_ = 	snop  }
0x3c: {  	p2 =	seq.s32 s10, $0x1;
	s10 =	sld [smem:$0x3FBA]  }
0x3d: {  	_ =	shalt  }
0x3e: {  	_ =	shalt  }
0x3f: {  	_ =	shalt  }
0x40: {  	_ =	shalt  }
0x41: {  	_ =	shalt  }
0x42: {  	_ =	shalt  }
0x43: {  	_ =	shalt  }
0x44: {  	_ =	shalt  }
0x45: {  	_ =	shalt  }
0x46: {  	_ =	shalt  }
0x47: {  	_ =	shalt  }
0x48: {  	_ =	shalt  }
0x49: {  	_ =	shalt  }
0x4a: {  	_ =	shalt  }
0x4b: {  	_ =	shalt  }
0x4c: {  	_ =	shalt  }
0x4d: {  	_ =	shalt  }
0x4e: {  	_ =	shalt  }
0x4f: {  	_ =	shalt  }
0x50: {  	_ =	shalt  }
0x51: {  	_ =	shalt  }
0x52: {  	_ =	shalt  }
0x53: {  	_ =	shalt  }
0x54: {  	_ =	shalt  }
0x55: {  	_ =	shalt  }
0x56: {  	_ =	shalt  }
0x57: {  	_ =	shalt  }
0x58: {  	_ =	shalt  }
0x59: {  	_ =	shalt  }
0x5a: {  	_ =	shalt  }
0x5b: {  	_ =	shalt  }
0x5c: {  	_ =	shalt  }
0x5d: {  	_ =	shalt  }
0x5e: {  	_ =	shalt  }
0x5f: {  	_ =	shalt  }
0x60: {  	_ =	shalt  }
0x61: {  	_ =	shalt  }
0x62: {  	_ =	shalt  }
0x63: {  	_ =	shalt  }
0x64: {  	_ =	shalt  }
0x65: {  	_ =	shalt  }
0x66: {  	_ =	shalt  }
0x67: {  	_ =	shalt  }
0x68: {  	_ =	shalt  }
0x69: {  	_ =	shalt  }
0x6a: {  	_ =	shalt  }
0x6b: {  	_ =	shalt  }
0x6c: {  	_ =	shalt  }
0x6d: {  	_ =	shalt  }
0x6e: {  	_ =	shalt  }
0x6f: {  	_ =	shalt  }
0x70: {  	_ =	shalt  }
0x71: {  	_ =	shalt  }
0x72: {  	_ =	shalt  }
0x73: {  	_ =	shalt  }
0x74: {  	_ =	shalt  }
0x75: {  	_ =	shalt  }
0x76: {  	_ =	shalt  }
0x77: {  	_ =	shalt  }
0x78: {  	_ =	shalt  }
0x79: {  	_ =	shalt  }
0x7a: {  	_ =	shalt  }
0x7b: {  	_ =	shalt  }
0x7c: {  	_ =	shalt  }
0x7d: {  	_ =	shalt  }
0x7e: {  	_ =	shalt  }
0x7f: {  	_ =	shalt  }
0x80: {  	_ =	shalt  }
0x81: {  	_ =	shalt  }
0x82: {  	_ =	shalt  }
0x83: {  	_ =	shalt  }
0x84: {  	_ =	shalt  }
0x85: {  	_ =	shalt  }
0x86: {  	_ =	shalt  }
0x87: {  	_ =	shalt  }
.Lfunc_end0:
.L_simem_size_0:
called_computation_lowered:
.L_overlay_start_0:
0x88: {  	s0 =	sld [smem:$0x3FD9]  }
0x89: {  	s1 =	sld [smem:$0x3FFE];
	_ =	sdelay $0x3  }
0x8a: {  	s0 =	sadd.s32 s1, s0  }
0x8b: {  	[smem:$0x3FC6] =	sst s0  }
0x8c: {  	_ = 	snop  }
0x8d: {  	s0 =	sld [smem:$0x3FC9]  }
0x8e: {  	s17 =	sld [smem:$0x3FC8]  }
0x8f: {  	s2 =	sld [smem:$0x3FD0];
	(tm) =	ssettm $0x1  }
0x90: {  	s3 =	sld [smem:$0x3FFB];
	_ =	sdelay $0x3  }
0x91: {  	_ =	strace s3  }
0x92: {  	s3 =	sld [smem:$0x3FFC];
	_ =	sdelay $0x3  }
0x93: {  	_ =	strace s3  }
0x94: {  	s3 =	sld [smem:$0x3FFD];
	_ =	sdelay $0x3  }
0x95: {  	_ =	strace s3  }
0x96: {  	_ =	strace $0x8FFFFFFF  }
0x97: {  	s18 =	sld [smem:$0x3FDB];
	_ =	sdelay $0x1  }
0x98: {  	s4 =	simm.s32 $_scs_section_size  }
0x99: {  	s5 =	simm.s32 $_size__tile_overlayer_lowered;
	s6 =	simm.s32 $_tile_overlayer_lowered  }
0x9a: {  	s21 =	simm.s32 $0x1BFF;
	s20 =	sshll.u32 s6, $0x1;
	s3 =	sadd.s32 s4, s18  }
0x9b: {  	s7 =	simm.s32 $0x0;
	s19 =	sshll.u32 s5, $0x1;
	s5 =	sadd.s32 s20, s3  }
0x9c: {  	[timem:s7], [sflag:s21] =	dma.local [hbm:s5], s19  }
0x9d: {  	_ =	swait.ge [sflag:s21], s19  }
0x9e: {  	s4 =	ssub.s32 $0x0, s19;
	[sflag:s21] =	ssyncset.done $0x0  }
0x9f: {  	[sflag:s21] =	ssyncadd.s32 s4;
	_ =	sdelay $0x1  }
0xa0: {  	s22 =	simm.s32 $0x1B8B  }
0xa1: {  	_ =	swait.ge [sflag:s22], $0x1  }
0xa2: {  	[sflag:s22] =	ssyncset.done $0x0  }
0xa3: {  	s23 =	simm.s32 $0x1B8E;
	[sflag:s22] =	ssyncadd.s32 $0xFFFFFFFF  }
0xa4: {  	s24 =	simm.s32 $execute0_lowered;
	[smem:$0x3FD2] =	sst s23  }
0xa5: {  	s4 =	sshll.u32 s24, $0x1;
	_ =	strace $0x80000046;
	[dreg:$0x1] =	wrdreg $0xFFFFFFFF  }
0xa6: {  	s25 =	simm.s32 $_size_execute0_lowered;
	s3 =	sadd.s32 s3, s4;
	[dreg:$0x0] =	wrdreg $0x0  }
0xa7: {  	s4 =	sshll.u32 s25, $0x1;
	[dreg:$0x2] =	wrdreg s3  }
0xa8: {  	[dreg:$0x3] =	wrdreg s4  }
0xa9: {  	[dreg:$0x4] =	wrdreg $0xC0  }
0xaa: {  	_ =	task [dreg:s7], $0x5FFFF  }
0xab: {  	[dreg:$0x1] =	wrdreg $0xFFFFFFFF  }
0xac: {  	[dreg:$0x0] =	wrdreg $0x60  }
0xad: {  	[dreg:$0x2] =	wrdreg s0  }
0xae: {  	[dreg:$0x3] =	wrdreg s17  }
0xaf: {  	[dreg:$0x4] =	wrdreg s2  }
0xb0: {  	[dreg:$0x5] =	wrdreg $0x9  }
0xb1: {  	_ =	task.clear_ibuf [dreg:s7], $0x6FFFF;
	_ =	strace $0x90000046  }
0xb2: {  	s26 =	simm.s32 $0x9;
	_ =	strace $0x80000048  }
0xb3: {  	_ =	swait.ge [sflag:s26], $0x1  }
0xb4: {  	[sflag:s26] =	ssyncadd.s32 $0xFFFFFFFF  }
0xb5: {  	_ =	strace $0x90000048  }
0xb6: {  	_ =	sfence  }
0xb7: {  	s28 =	sld [smem:$0x0];
	_ =	sdelay $0x1  }
0xb8: {  	s29 =	srdreg.scid  }
0xb9: {  	s30 =	sshll.u32 s29, $0xD;
	s31 =	sshrl.u32 s29, $0x2  }
0xba: {  	s1 =	sand.u32 $0x1, s29;
	s2 =	sand.u32 $0x4000, s30;
	s0 =	sadd.s32 s31, s28  }
0xbb: {  	s1 =	sor.u32 s2, s1;
	s0 =	sshll.u32 s0, $0x11  }
0xbc: {  	s0 =	sor.u32 s0, s1  }
0xbd: {  	s0 =	sadd.s32 $0x8F2B, s0  }
0xbe: {  	[sflag:s0] =	ssyncadd.remote.s32 $0x1  }
0xbf: {  	_ =	sfence.sel $0xFFFF  }
0xc0: {  	[dreg:$0x0] =	wrdreg $0xFFFFFFFF;
	(pc) =	sbr.abs _section_cstart, $3  }
0xc1: {  	[dreg:$0x1] =	wrdreg $0xFFFFFFFF  }
0xc2: {  	_ =	task.clear_ibuf [dreg:s7], $0x2FFFF;
	_ =	strace $0x9FFFFFFF  }
0xc3: {  	(tm) =	ssettm $0x7FFFFFFF  }
tec
execute0_lowered:
.L_overlay_start_1:
0x0: {  	(tag) =	ssettag $0x1  }
0x1: {  	s3 =	rddreg [dreg:$0x0]  }
0x2: {  	s5 =	rddreg [dreg:$0x1]  }
0x3: {  	s2 =	rddreg [dreg:$0x2];
	s6 =	simm.s32 $0x0;
	s1 =	stileid.u32  }
0x4: {  	[smem:$0x7FF] =	sst s6;
	s4 =	sshll.u32 s1, $0x7  }
0x5: {  	s0 =	rddreg [dreg:$0x3];
	_ =	strace $0x80000047;
	s3 =	sadd.s32 s3, s4  }
0x6: {  	[tilespmem:s6], [sflag:$0x1] =	stream.linear.gather [hbm4b:s3+s6], $0x400, $0x38;
	[tilespmem:$0x1600] =	vst v63  }
0x7: {  	s4 =	simm.s32 $0x400;
	s3 =	simm.s32 $0x1  }
0x8: {  	[tilespmem:s4], [sflag:$0x2] =	stream.linear.gather [hbm4b:s5+s6], $0x180, $0x38;
	[tilespmem:$0x1600] =	vst v63  }
0x9: {  	_ =	swait.ge [sflag:s3], $0x400  }
0xa: {  	[sflag:s3] =	ssyncset.done $0x0  }
0xb: {  	s15 =	simm.s32 $0x2;
	[sflag:s3] =	ssyncadd.s32 $0xFFFFFC00  }
0xc: {  	s13 =	simm.s32 $0x40;
	s7 =	sand.u32 $0x40, s6;
	_ =	swait.ge [sflag:s15], $0x180  }
0xd: {  	s8 =	sand.u32 $0x380, s6;
	s9 =	sor.u32 $0x30, s7;
	[sflag:s15] =	ssyncset.done $0x0  }
0xe: {  	s12 =	sor.u32 $0x20, s7;
	s16 =	sor.u32 s9, s8;
	[sflag:s15] =	ssyncadd.s32 $0xFFFFFE80  }
0xf: {  	s11 =	sand.u32 $0x40, s13;
	s10 =	sor.u32 $0x10, s7;
	s18 =	sor.u32 s12, s8;
	v2 =	vld [tilespmem:s16+$0x0]  }
0x10: {  	s22 =	sand.u32 $0x380, s13;
	s23 =	sor.u32 $0x30, s11;
	s17 =	sor.u32 s10, s8;
	v4 =	vld [tilespmem:s18+$0x0]  }
0x11: {  	s14 =	sor.u32 $0x10, s11;
	s15 =	sor.u32 s23, s22;
	v3 =	vld [tilespmem:s17+$0x0]  }
0x12: {  	s17 =	sor.u32 s14, s22;
	v9 =	vld [tilespmem:s15+$0x0]  }
0x13: {  	v1 =	vld [tilespmem:s17+$0x0]  }
0x14: {  	s20 =	simm.s32 $0x0  }
0x15: {  	v6 =	vld [tilespmem:s20+$0x0];
	_ =	sdelay $0x1  }
0x16: {  	v0 =	vld.idx.msk [tilespmem:v2+s4+$0x0], $0xffff  }
0x17: {  	v7 =	vld.idx.msk [tilespmem:v4+s4+$0x0], $0xffff  }
0x18: {  	s19 =	sand.u32 $0xE00, s6;
	v5 =	vld.idx.msk [tilespmem:v3+s4+$0x0], $0xffff  }
0x19: {  	s21 =	sadd.s32 $0x600, s19;
	s16 =	sor.u32 $0x20, s11;
	v11 =	vld.idx.msk [tilespmem:v9+s4+$0x0], $0xffff  }
0x1a: {  	s9 =	sor.u32 s9, s21;
	s6 =	sor.u32 s16, s22;
	v12 =	vld.idx.msk [tilespmem:v1+s4+$0x0], $0xffff  }
0x1b: {  	s24 =	simm.s32 $0x100;
	s10 =	sor.u32 s10, s21;
	s12 =	sor.u32 s12, s21;
	[tilespmem:s9+$0x0] =	vst v0;
	v0 =	vld [tilespmem:s6+$0x0]  }
0x1c: {  	s5 =	simm.s32 $0x480;
	s15 =	sor.u32 s7, s21;
	s7 =	sand.u32 $0xE00, s24;
	[tilespmem:s12+$0x0] =	vst v7;
	v7 =	vld.idx.msk [tilespmem:v6+s4+$0x0], $0xffff  }
0x1d: {  	s17 =	sadd.s32 $0x600, s7;
	[tilespmem:s10+$0x0] =	vst v5;
	v8 =	vld.idx.msk [tilespmem:v2+s5+$0x0], $0xffff  }
0x1e: {  	s28 =	sor.u32 s23, s17;
	v5 =	vld.idx.msk [tilespmem:v3+s5+$0x0], $0xffff  }
0x1f: {  	s21 =	sor.u32 s14, s17;
	[tilespmem:s28+$0x0] =	vst v11;
	v10 =	vld.idx.msk [tilespmem:v4+s5+$0x0], $0xffff  }
0x20: {  	v14 =	vld.idx.msk [tilespmem:v9+s5+$0x0], $0xffff;
	[tilespmem:s21+$0x0] =	vst v12  }
0x21: {  	v12 =	vld.idx.msk [tilespmem:v1+s5+$0x0], $0xffff;
	[tilespmem:s15+$0x0] =	vst v7  }
0x22: {  	s6 =	simm.s32 $0x500;
	[tilespmem:s9+$0x80] =	vst v8;
	v7 =	vld.idx.msk [tilespmem:v6+s5+$0x0], $0xffff  }
0x23: {  	s25 =	simm.s32 $0x40;
	s26 =	simm.s32 $0x80;
	v8 =	vld.idx.msk [tilespmem:v2+s6+$0x0], $0xffff  }
0x24: {  	s7 =	sand.u32 $0x40, s26;
	[tilespmem:s10+$0x80] =	vst v5;
	v2 =	vld [tilespmem:s25+$0x0]  }
0x25: {  	s29 =	sand.u32 $0x380, s26;
	s8 =	sor.u32 $0x30, s7;
	[tilespmem:s12+$0x80] =	vst v10;
	v10 =	vld.idx.msk [tilespmem:v3+s6+$0x0], $0xffff  }
0x26: {  	p0 =	por $0x0, $0x0;
	s18 =	sor.u32 s8, s29;
	s9 =	simm.s32 $0x1;
	v11 =	vld.idx.msk [tilespmem:v4+s6+$0x0], $0xffff  }
0x27: {  	s10 =	sor.u32 $0x20, s7;
	s9 =	simm.s32 @!p0 $0x0;
	v3 =	vld [tilespmem:s18+$0x0]  }
0x28: {  	s13 =	sor.u32 s10, s29;
	v13 =	vld.idx.msk [tilespmem:v0+s4+$0x0], $0xffff;
	s30 =	sshll.u32 s9, $0x6;
	s9 =	sor.u32 $0x10, s7  }
0x29: {  	v5 =	vld [tilespmem:s13+$0x0];
	s20 =	sor.u32 s9, s29  }
0x2a: {  	s23 =	sor.u32 s16, s17;
	[tilespmem:s28+$0x80] =	vst v14;
	v4 =	vld [tilespmem:s20+$0x0]  }
0x2b: {  	v15 =	vld.idx.msk [tilespmem:v9+s6+$0x0], $0xffff;
	p0 =	por !p0, !p0;
	s19 =	sadd.s32 $0x0, s30;
	[tilespmem:s15+$0x80] =	vst v7;
	s15 =	simm.s32 $0x1  }
0x2c: {  	[tilespmem:s21+$0x80] =	vst v12;
	s30 =	simm.s32 $0x80;
	s31 =	sadd.s32 $0x30, s19;
	s15 =	simm.s32 @!p0 $0x0;
	v9 =	vld.idx.msk [tilespmem:v6+s6+$0x0], $0xffff  }
0x2d: {  	s24 =	sadd.s32 $0x10, s19;
	s22 =	sor.u32 $0x100, s31;
	[tilespmem:s23+$0x0] =	vst v13;
	s28 =	sshll.u32 s15, $0x6;
	v62 =	vld.idx.msk [tilespmem:v2+s4+$0x0], $0xffff  }
0x2e: {  	s25 =	sadd.s32 $0x20, s19;
	s26 =	sor.u32 $0x100, s24;
	[tilespmem:s22+$0x600] =	vst v8;
	v63 =	vld.idx.msk [tilespmem:v0+s5+$0x0], $0xffff;
	s12 =	sadd.s32 $0x100, s28  }
0x2f: {  	s14 =	sor.u32 $0x100, s25;
	[tilespmem:s26+$0x600] =	vst v10;
	v6 =	vld [tilespmem:s30+$0x0];
	s29 =	sadd.s32 $0x30, s12  }
0x30: {  	[tilespmem:s14+$0x600] =	vst v11;
	v10 =	vld.idx.msk [tilespmem:v3+s4+$0x0], $0xffff;
	s21 =	sor.u32 $0x100, s29  }
0x31: {  	s13 =	simm.s32 $0x8;
	s14 =	sor.u32 s11, s17;
	s11 =	simm.s32 $0x200;
	v7 =	vld.idx.msk [tilespmem:v5+s4+$0x0], $0xffff;
	[tilespmem:s21+$0x600] =	vst v15  }
0x32: {  	s16 =	sor.u32 $0x100, s19;
	s31 =	sand.u32 $0xE00, s11;
	s15 =	simm.s32 $0xC0;
	v8 =	vld.idx.msk [tilespmem:v4+s4+$0x0], $0xffff;
	[tilespmem:s14+$0x0] =	vst v62  }
0x33: {  	s19 =	sadd.s32 $0x600, s31;
	s17 =	sadd.s32 $0x10, s12;
	s18 =	sadd.s32 $0x20, s12;
	[tilespmem:s23+$0x80] =	vst v63;
	v11 =	vld.idx.msk [tilespmem:v2+s5+$0x0], $0xffff  }
.LBB2_1:
0x34: {  	s20 =	sand.u32 $0x40, s15;
	s13 =	sadd.s32 $0x4, s13;
	s21 =	sor.u32 s8, s19;
	v12 =	vld.idx.msk [tilespmem:v1+s6+$0x0], $0xffff;
	[tilespmem:s16+$0x600] =	vst v9;
	v1 =	vmov v4  }
0x35: {  	s16 =	sand.u32 $0x380, s15;
	s8 =	sor.u32 $0x30, s20;
	p1 =	slt.u32 s13, $0x3C;
	[tilespmem:s21+$0x0] =	vst v10;
	v9 =	vld.idx.msk [tilespmem:v0+s6+$0x0], $0xffff;
	v0 =	vmov v5  }
0x36: {  	s22 =	sor.u32 $0x10, s20;
	s23 =	sor.u32 $0x20, s20;
	s24 =	sor.u32 s8, s16;
	v10 =	vld.idx.msk [tilespmem:v3+s5+$0x0], $0xffff  }
0x37: {  	s25 =	sor.u32 s22, s16;
	s16 =	sor.u32 s23, s16;
	v13 =	vld [tilespmem:s24+$0x0];
	s24 =	sor.u32 s7, s19  }
0x38: {  	s17 =	sor.u32 $0x100, s17;
	v4 =	vld [tilespmem:s25+$0x0];
	s25 =	sor.u32 s9, s19;
	s19 =	sor.u32 s10, s19;
	[tilespmem:s14+$0x80] =	vst v11  }
0x39: {  	s7 =	smov.u32 s20;
	v5 =	vld [tilespmem:s16+$0x0];
	[tilespmem:s25+$0x0] =	vst v8;
	s16 =	sor.u32 $0x100, s12;
	s12 =	sor.u32 $0x100, s18  }
0x3a: {  	s9 =	smov.u32 s22;
	s10 =	smov.u32 s23;
	s14 =	smov.u32 s24;
	v11 =	vld.idx.msk [tilespmem:v1+s5+$0x0], $0xffff;
	[tilespmem:s19+$0x0] =	vst v7  }
0x3b: {  	v14 =	vld.idx.msk [tilespmem:v6+s4+$0x0], $0xffff;
	[tilespmem:s17+$0x600] =	vst v12  }
0x3c: {  	v12 =	vld.idx.msk [tilespmem:v0+s5+$0x0], $0xffff;
	[tilespmem:s21+$0x80] =	vst v10  }
0x3d: {  	p0 =	por !p0, !p0;
	v15 =	vld.idx.msk [tilespmem:v3+s6+$0x0], $0xffff;
	[tilespmem:s12+$0x600] =	vst v9;
	v3 =	vmov v13;
	s12 =	simm.s32 $0x1  }
0x3e: {  	s12 =	simm.s32 @!p0 $0x0;
	v9 =	vld.idx.msk [tilespmem:v2+s6+$0x0], $0xffff;
	v2 =	vmov v6  }
.Ltmp0:
0x3f: {  	v10 =	vld.idx.msk [tilespmem:v13+s4+$0x0], $0xffff;
	s12 =	sshll.u32 s12, $0x6;
	(pc) =	sbr.rel @p1 .LBB2_1-.Ltmp0, $4  }
0x40: {  	v8 =	vld.idx.msk [tilespmem:v4+s4+$0x0], $0xffff;
	s12 =	sadd.s32 s12, s11;
	[tilespmem:s25+$0x80] =	vst v11  }
0x41: {  	s11 =	sadd.s32 $0x100, s11;
	v7 =	vld.idx.msk [tilespmem:v5+s4+$0x0], $0xffff;
	[tilespmem:s14+$0x0] =	vst v14;
	s17 =	sadd.s32 $0x10, s12;
	s18 =	sadd.s32 $0x30, s12  }
0x42: {  	s20 =	sshra.s32 s11, $0x2;
	s21 =	sand.u32 $0xE00, s11;
	v11 =	vld.idx.msk [tilespmem:v6+s5+$0x0], $0xffff;
	[tilespmem:s19+$0x80] =	vst v12;
	s22 =	sor.u32 $0x100, s18  }
0x43: {  	s15 =	sadd.s32 $0x40, s15;
	s19 =	sadd.s32 $0x600, s21;
	s18 =	sadd.s32 $0x20, s12;
	v6 =	vld [tilespmem:s20+$0x0];
	[tilespmem:s22+$0x600] =	vst v15  }
0x44: {  	_ =	sdelay $0x7  }
0x45: {  	v12 =	vld.idx.msk [tilespmem:v6+s4+$0x0], $0xffff  }
0x46: {  	s8 =	sor.u32 s8, s19;
	[tilespmem:s16+$0x600] =	vst v9  }
0x47: {  	s15 =	sor.u32 s9, s19;
	v1 =	vld.idx.msk [tilespmem:v1+s6+$0x0], $0xffff;
	[tilespmem:s8+$0x0] =	vst v10  }
0x48: {  	s16 =	sor.u32 s10, s19;
	[tilespmem:s15+$0x0] =	vst v8;
	v58 =	vld.idx.msk [tilespmem:v3+s5+$0x0], $0xffff  }
0x49: {  	s7 =	sor.u32 s7, s19;
	v8 =	vld.idx.msk [tilespmem:v4+s5+$0x0], $0xffff;
	[tilespmem:s16+$0x0] =	vst v7  }
0x4a: {  	v7 =	vld.idx.msk [tilespmem:v5+s5+$0x0], $0xffff;
	[tilespmem:s7+$0x0] =	vst v12  }
0x4b: {  	s19 =	sor.u32 $0x100, s17;
	[tilespmem:s14+$0x80] =	vst v11;
	v59 =	vld.idx.msk [tilespmem:v6+s5+$0x0], $0xffff  }
0x4c: {  	v0 =	vld.idx.msk [tilespmem:v0+s6+$0x0], $0xffff;
	[tilespmem:s19+$0x600] =	vst v1  }
0x4d: {  	p0 =	por !p0, !p0;
	v2 =	vld.idx.msk [tilespmem:v2+s6+$0x0], $0xffff;
	[tilespmem:s8+$0x80] =	vst v58  }
0x4e: {  	s3 =	simm.s32 @!p0 $0x0;
	[tilespmem:s15+$0x80] =	vst v8;
	v60 =	vld.idx.msk [tilespmem:v3+s6+$0x0], $0xffff  }
0x4f: {  	s3 =	sshll.u32 s3, $0x6;
	[tilespmem:s16+$0x80] =	vst v7;
	v61 =	vld.idx.msk [tilespmem:v4+s6+$0x0], $0xffff  }
0x50: {  	s20 =	sor.u32 $0x100, s18;
	s3 =	sadd.s32 s3, s11;
	v62 =	vld.idx.msk [tilespmem:v5+s6+$0x0], $0xffff;
	[tilespmem:s7+$0x80] =	vst v59  }
0x51: {  	s23 =	sor.u32 $0x100, s12;
	s21 =	sadd.s32 $0x30, s3;
	[tilespmem:s20+$0x600] =	vst v0;
	v63 =	vld.idx.msk [tilespmem:v6+s6+$0x0], $0xffff  }
0x52: {  	s24 =	sadd.s32 $0x10, s3;
	s22 =	sor.u32 $0x100, s21;
	[tilespmem:s23+$0x600] =	vst v2  }
0x53: {  	s25 =	sadd.s32 $0x20, s3;
	s26 =	sor.u32 $0x100, s24;
	[tilespmem:s22+$0x600] =	vst v60  }
0x54: {  	s4 =	sor.u32 $0x100, s25;
	[tilespmem:s26+$0x600] =	vst v61  }
0x55: {  	s28 =	sshll.u32 s1, $0x9;
	s29 =	simm.s32 $0x0;
	s3 =	sor.u32 $0x100, s3;
	[tilespmem:s4+$0x600] =	vst v62  }
0x56: {  	s30 =	simm.s32 $0x600;
	s31 =	simm.s32 $0x3;
	s2 =	sadd.s32 s2, s28;
	[tilespmem:s3+$0x600] =	vst v63  }
0x57: {  	[hbm4b:s2+s29] =	stream.linear.scatter [tilespmem:s30], [sflag:$0x3], $0x1000, $0x38;
	[tilespmem:$0x1600] =	vst v63  }
0x58: {  	_ =	swait.ge [sflag:s31], $0x1000  }
0x59: {  	[sflag:s31] =	ssyncset.done $0x0  }
0x5a: {  	[sflag:s31] =	ssyncadd.s32 $0xFFFFF000  }
0x5b: {  	_ =	sfence.sel $0x180000  }
0x5c: {  	[bflag:$0x0] =	sbarrier.arrive $0xFFFF  }
0x5d: {  	p0 =	sne.s32 s1, $0x0;
	_ =	strace $0x90000047  }
0x5e: {  	s0 =	sadd.s32 @!p0 $0x100000, s0;
	[bflag:$0x2] =	sbarrier.arrive $0xFFFF  }
0x5f: {  	[sflag:s0] =	ssyncadd.tile.s32 @!p0 $0x1;
	_ =	shalt  }
.Lfunc_end2:
_tile_overlayer_lowered:
.L_overlay_start_2:
0x60: {  	(tag) =	ssettag $0x2  }
0x61: {  	s0 =	rddreg [dreg:$0x0];
	s2 =	stileid.u32  }
0x62: {  	s1 =	rddreg [dreg:$0x1];
	p0 =	sne.s32 s2, $0x0  }
0x63: {  	s3 =	rddreg [dreg:$0x2];
	[bflag:$0x3] =	sbarrier.arrive $0xFFFF;
	s2 =	simm.s32 @!p0 $0x1C03  }
0x64: {  	[timem:s3], [sflag:s2] =	dma.local @!p0 [hbm:s0], s1  }
0x65: {  	s0 =	simm.s32 @!p0 $0x3  }
0x66: {  	_ =	swait.ge @!p0 [sflag:s0], s1  }
0x67: {  	s1 =	ssub.s32 @!p0 $0x0, s1;
	[sflag:s0] =	ssyncset.done @!p0 $0x0  }
0x68: {  	[sflag:s0] =	ssyncadd.s32 @!p0 s1  }
0x69: {  	[bflag:$0x3] =	sbarrier.arrive $0xFFFF  }
0x6a: {  	_ =	shalt  }

</sc_bundles>
